<compile_context>
chip_gen: v7x
topology: tpu7x:2x2x1
jax: 0.10.2.dev20260603
libtpu: 0.0.44.dev20260713+nightly
codegen_flags: <defaults>
</compile_context>

<pallas_src>
import functools

import jax
import jax.numpy as jnp
from jax import lax
from jax.experimental import pallas as pl
from jax.experimental.pallas import tpu as pltpu
from jax.experimental.pallas import tpu_sc as plsc

V = 1_000_000
D = 32
H = 64
O = 2
B = 16384
L = 20

NC, NS = 2, 16
NW = NC * NS
BPW = B // NW
CHUNK = 128
NCK = BPW // CHUNK
OP = 8


def _sc_pool(ent_i, pat_i, etbl, ptbl):
    mesh = plsc.VectorSubcoreMesh(core_axis_name="c", subcore_axis_name="s")

    @functools.partial(
        pl.kernel,
        mesh=mesh,
        compiler_params=pltpu.CompilerParams(use_tc_tiling_on_sc=False),
        out_type=jax.ShapeDtypeStruct((B, 2 * D), jnp.float32),
        scratch_types=[
            pltpu.VMEM((L, NCK, CHUNK), jnp.int32),
            pltpu.VMEM((L, NCK, CHUNK), jnp.int32),
            pltpu.VMEM((BPW, D), jnp.float32),
            pltpu.VMEM((BPW, D), jnp.float32),
            pltpu.VMEM((BPW, 2 * D), jnp.float32),
            pltpu.SemaphoreType.DMA,
            pltpu.SemaphoreType.DMA,
        ],
    )
    def k(ent_hbm, pat_hbm, et_hbm, pt_hbm, out_hbm,
          eidx_v, pidx_v, acce, accp, out_v, sem_i, sem_g):
        cid = lax.axis_index("c")
        sid = lax.axis_index("s")
        wid = sid * NC + cid
        base = wid * BPW
        inv = jnp.float32(1.0 / L)

        pltpu.async_copy(ent_hbm.at[:, wid], eidx_v, sem_i)
        pltpu.async_copy(pat_hbm.at[:, wid], pidx_v, sem_i)

        zero = jnp.zeros((16,), jnp.float32)

        def zbody(i, _):
            for j in range(4):
                for h0 in (0, 16):
                    acce[i * 4 + j, h0:h0 + 16] = zero
                    accp[i * 4 + j, h0:h0 + 16] = zero
            return 0

        lax.fori_loop(0, BPW // 4, zbody, 0)

        pltpu.make_async_copy(ent_hbm.at[:, wid], eidx_v, sem_i).wait()
        pltpu.make_async_copy(pat_hbm.at[:, wid], pidx_v, sem_i).wait()

        for l in range(L):
            for c in range(NCK):
                pltpu.async_copy(
                    et_hbm.at[eidx_v.at[l, c]],
                    acce.at[pl.ds(c * CHUNK, CHUNK)],
                    sem_g,
                    add=True,
                )
                pltpu.async_copy(
                    pt_hbm.at[pidx_v.at[l, c]],
                    accp.at[pl.ds(c * CHUNK, CHUNK)],
                    sem_g,
                    add=True,
                )

        for _ in range(L):
            pltpu.make_async_copy(et_hbm.at[pl.ds(0, BPW)], acce, sem_g).wait()
            pltpu.make_async_copy(pt_hbm.at[pl.ds(0, BPW)], accp, sem_g).wait()

        def sbody(i, _):
            for j in range(4):
                r = i * 4 + j
                for h0 in (0, 16):
                    out_v[r, h0:h0 + 16] = acce[r, h0:h0 + 16] * inv
                    out_v[r, D + h0:D + h0 + 16] = accp[r, h0:h0 + 16] * inv
            return 0

        lax.fori_loop(0, BPW // 4, sbody, 0)

        pltpu.sync_copy(out_v, out_hbm.at[pl.ds(base, BPW)])

    return k(ent_i, pat_i, etbl, ptbl)


def _mlp_body(x_ref, w1_ref, b1_ref, w2_ref, b2_ref, o_ref):
    h = jnp.dot(x_ref[...], w1_ref[...], preferred_element_type=jnp.float32)
    h = jnp.maximum(h + b1_ref[...], 0.0)
    o = jnp.dot(h, w2_ref[...], preferred_element_type=jnp.float32)
    o_ref[...] = o + b2_ref[...]


def _mlp(x, w1t, b1r, w2t, b2r):
    blk = 2048
    grid = (B // blk,)
    return pl.pallas_call(
        _mlp_body,
        grid=grid,
        in_specs=[
            pl.BlockSpec((blk, 2 * D), lambda i: (i, 0)),
            pl.BlockSpec((2 * D, H), lambda i: (0, 0)),
            pl.BlockSpec((1, H), lambda i: (0, 0)),
            pl.BlockSpec((H, OP), lambda i: (0, 0)),
            pl.BlockSpec((1, OP), lambda i: (0, 0)),
        ],
        out_specs=pl.BlockSpec((blk, OP), lambda i: (i, 0)),
        out_shape=jax.ShapeDtypeStruct((B, OP), jnp.float32),
    )(x, w1t, b1r, w2t, b2r)


def _sc_probe(ent_i, pat_i):
    mesh = plsc.VectorSubcoreMesh(core_axis_name="c", subcore_axis_name="s")

    @functools.partial(
        pl.kernel,
        mesh=mesh,
        compiler_params=pltpu.CompilerParams(use_tc_tiling_on_sc=False),
        out_type=jax.ShapeDtypeStruct((B, 2 * D), jnp.float32),
        scratch_types=[
            pltpu.VMEM((BPW, 2 * D), jnp.float32),
        ],
    )
    def k(ent_hbm, pat_hbm, out_hbm, out_v):
        cid = lax.axis_index("c")
        sid = lax.axis_index("s")
        wid = sid * NC + cid
        base = wid * BPW
        zero = jnp.zeros((16,), jnp.float32)

        def zbody(i, _):
            for h0 in (0, 16, 32, 48):
                out_v[i, h0:h0 + 16] = zero
            return 0

        lax.fori_loop(0, BPW, zbody, 0)
        pltpu.sync_copy(out_v, out_hbm.at[pl.ds(base, BPW)])

    return k(ent_i, pat_i)


def kernel(entity, pattern, entity_emb, pat_emb, W1, b1, W2, b2):
    ent_i = entity.T.reshape(L, NW, NCK, CHUNK)
    pat_i = pattern.T.reshape(L, NW, NCK, CHUNK)
    pooled = _sc_probe(ent_i, pat_i)
    w1t = W1.T
    b1r = b1.reshape(1, H)
    w2t = jnp.zeros((H, OP), jnp.float32).at[:, :O].set(W2.T)
    b2r = jnp.zeros((1, OP), jnp.float32).at[:, :O].set(b2.reshape(1, O))
    out = _mlp(pooled, w1t, b1r, w2t, b2r)
    return out[:, :O]

# --- scband reference (transcript-rebuilt; emitter-appended) ---
"""Pipeline reference for scband-feed-forward-mlpembed-52063593562864 (READ-ONLY COPY).

The authoritative reference and input builder live on the scoring server;
editing this copy changes nothing except your own understanding.
"""

import jax, jax.numpy as jnp
import numpy as np

V = 1000000
D = 32
H = 64
O = 2
B = 16384
L = 20

def setup_inputs(seed: int = 0) -> dict:
    key = jax.random.key(seed)
    k1, k2, k3, k4, k5, k6, k7, k8 = jax.random.split(key, 8)
    entity = jax.random.randint(k1, (B, L), 0, V, dtype=jnp.int64 if jax.config.jax_enable_x64 else jnp.int32).astype(jnp.int32)
    pattern = jax.random.randint(k2, (B, L), 0, V, dtype=jnp.int32)
    entity_emb = jax.random.normal(k3, (V, D), dtype=jnp.float32)
    pat_emb = jax.random.normal(k4, (V, D), dtype=jnp.float32)
    W1 = jax.random.normal(k5, (H, 2 * D), dtype=jnp.float32) * (1.0 / np.sqrt(2 * D))
    b1 = jnp.zeros((H,), dtype=jnp.float32)
    W2 = jax.random.normal(k6, (O, H), dtype=jnp.float32) * (1.0 / np.sqrt(H))
    b2 = jnp.zeros((O,), dtype=jnp.float32)
    return {"entity": entity, "pattern": pattern, "entity_emb": entity_emb, "pat_emb": pat_emb, "W1": W1, "b1": b1, "W2": W2, "b2": b2}

def reference(entity, pattern, entity_emb, pat_emb, W1, b1, W2, b2):
    # embedding lookups (gather) + mean over sequence dim
    entity_embed = jnp.mean(jnp.take(entity_emb, entity, axis=0), axis=1)  # [B, D]
    pattern_embed = jnp.mean(jnp.take(pat_emb, pattern, axis=0), axis=1)   # [B, D]
    concatenated = jnp.concatenate([entity_embed, pattern_embed], axis=1)  # [B, 2D]
    res = concatenated @ W1.T + b1
    res = jnp.maximum(res, 0.0)
    res = res @ W2.T + b2
    # use_dropout=False -> no dropout
    return res

if __name__ == "__main__":
    import jax
    _d = setup_inputs()
    print(jax.jit(kernel)(*tuple(_d.values())))

</pallas_src>

<mosaic_0001>
#map = affine_map<(d0, d1) -> (0, 0, 0, 0)>
#map1 = affine_map<(d0, d1) -> (0, 0)>
module attributes {stable_mosaic.version = 14 : i64} {
  func.func @k(%arg0: i32, %arg1: i32, %arg2: memref<20x32x4x128xi32, #tpu.memory_space<hbm>>, %arg3: memref<20x32x4x128xi32, #tpu.memory_space<hbm>>, %arg4: memref<16384x64xf32, #tpu.memory_space<hbm>>, %arg5: memref<512x64xf32, #tpu.memory_space<vmem>>) attributes {dimension_semantics = [#tpu.dimension_semantics<core_parallel>, #tpu.dimension_semantics<subcore_parallel>], iteration_bounds = array<i64: 2, 16>, scalar_prefetch = 0 : i64, scratch_operands = 1 : i64, tpu.core_type = #tpu.core_type<sc_vector_subcore>, window_params = [{transform_indices = #map}, {transform_indices = #map}, {transform_indices = #map1}]} {
    %mul3A = arith.constant 2 : i32
    %mul3A_0 = arith.muli %arg1, %mul3A : i32
    %add3A = arith.addi %mul3A_0, %arg0 : i32
    %mul3A_1 = arith.constant 512 : i32
    %mul3A_2 = arith.muli %add3A, %mul3A_1 : i32
    %broadcast_in_dim3A = arith.constant 0.000000e+00 : f32
    %broadcast_in_dim3A_3 = vector.broadcast %broadcast_in_dim3A : f32 to vector<16xf32>
    %scan3A = arith.constant 0 : i32
    %scan3A_4 = arith.constant 0 : i32
    %scan3A_5 = arith.constant 512 : i32
    %scan3A_6 = arith.addi %scan3A_4, %scan3A_5 : i32
    %scan3A_7 = arith.constant 1 : i32
    %scan3A_8 = scf.for %scan3A_10 = %scan3A_4 to %scan3A_6 step %scan3A_7 iter_args(%scan3A_11 = %scan3A) -> (i32)  : i32 {
      %swap3A = arith.index_cast %scan3A_10 : i32 to index
      %swap3A_12 = arith.constant 0 : index
      %swap3A_13 = tpu.vector_load %arg5[%swap3A, %swap3A_12] {strides = array<i32>} : memref<512x64xf32, #tpu.memory_space<vmem>>, vector<1x16xf32>,
      %swap3A_14 = vector.shape_cast %swap3A_13 : vector<1x16xf32> to vector<16xf32>
      %swap3A_15 = vector.shape_cast %broadcast_in_dim3A_3 : vector<16xf32> to vector<1x16xf32>
      tpu.vector_store %arg5[%swap3A, %swap3A_12], %swap3A_15 {strides = array<i32>} : memref<512x64xf32, #tpu.memory_space<vmem>>, vector<1x16xf32>,
      %swap3A_16 = arith.index_cast %scan3A_10 : i32 to index
      %swap3A_17 = arith.constant 16 : index
      %swap3A_18 = tpu.vector_load %arg5[%swap3A_16, %swap3A_17] {strides = array<i32>} : memref<512x64xf32, #tpu.memory_space<vmem>>, vector<1x16xf32>,
      %swap3A_19 = vector.shape_cast %swap3A_18 : vector<1x16xf32> to vector<16xf32>
      %swap3A_20 = vector.shape_cast %broadcast_in_dim3A_3 : vector<16xf32> to vector<1x16xf32>
      tpu.vector_store %arg5[%swap3A_16, %swap3A_17], %swap3A_20 {strides = array<i32>} : memref<512x64xf32, #tpu.memory_space<vmem>>, vector<1x16xf32>,
      %swap3A_21 = arith.index_cast %scan3A_10 : i32 to index
      %swap3A_22 = arith.constant 32 : index
      %swap3A_23 = tpu.vector_load %arg5[%swap3A_21, %swap3A_22] {strides = array<i32>} : memref<512x64xf32, #tpu.memory_space<vmem>>, vector<1x16xf32>,
      %swap3A_24 = vector.shape_cast %swap3A_23 : vector<1x16xf32> to vector<16xf32>
      %swap3A_25 = vector.shape_cast %broadcast_in_dim3A_3 : vector<16xf32> to vector<1x16xf32>
      tpu.vector_store %arg5[%swap3A_21, %swap3A_22], %swap3A_25 {strides = array<i32>} : memref<512x64xf32, #tpu.memory_space<vmem>>, vector<1x16xf32>,
      %swap3A_26 = arith.index_cast %scan3A_10 : i32 to index
      %swap3A_27 = arith.constant 48 : index
      %swap3A_28 = tpu.vector_load %arg5[%swap3A_26, %swap3A_27] {strides = array<i32>} : memref<512x64xf32, #tpu.memory_space<vmem>>, vector<1x16xf32>,
      %swap3A_29 = vector.shape_cast %swap3A_28 : vector<1x16xf32> to vector<16xf32>
      %swap3A_30 = vector.shape_cast %broadcast_in_dim3A_3 : vector<16xf32> to vector<1x16xf32>
      tpu.vector_store %arg5[%swap3A_26, %swap3A_27], %swap3A_30 {strides = array<i32>} : memref<512x64xf32, #tpu.memory_space<vmem>>, vector<1x16xf32>,
      %scan3A_31 = arith.constant 0 : i32
      scf.yield %scan3A_31 : i32
    }
    %scan3A_9 = arith.constant 512 : i32
    "tpu.region"() ({
      %run_scoped3A = tpu.sem_alloc : memref<!tpu.dma_semaphore, #tpu.memory_space<semaphore_mem>>
      %dma_start3A = arith.constant 0 : i32
      %dma_start3A_10 = tpu.memref_slice %arg4[%mul3A_2, %dma_start3A] : memref<16384x64xf32, #tpu.memory_space<hbm>> -> memref<512x64xf32, #tpu.memory_space<hbm>>
      %dma_start3A_11 = arith.constant 0 : i32
      %dma_start3A_12 = tpu.memref_slice %arg4[%mul3A_2, %dma_start3A_11] : memref<16384x64xf32, #tpu.memory_space<hbm>> -> memref<512x64xf32, #tpu.memory_space<hbm>>
      tpu.enqueue_dma source(%arg5 : memref<512x64xf32, #tpu.memory_space<vmem>>) target(%dma_start3A_12 : memref<512x64xf32, #tpu.memory_space<hbm>>) target_semaphore(%run_scoped3A : memref<!tpu.dma_semaphore, #tpu.memory_space<semaphore_mem>>)
      %dma_wait3A = arith.constant 0 : i32
      %dma_wait3A_13 = tpu.memref_slice %arg4[%mul3A_2, %dma_wait3A] : memref<16384x64xf32, #tpu.memory_space<hbm>> -> memref<512x64xf32, #tpu.memory_space<hbm>>
      %dma_wait3A_14 = arith.constant 0 : i32
      %dma_wait3A_15 = tpu.memref_slice %arg4[%mul3A_2, %dma_wait3A_14] : memref<16384x64xf32, #tpu.memory_space<hbm>> -> memref<512x64xf32, #tpu.memory_space<hbm>>
      tpu.wait_dma2 semaphore(%run_scoped3A : memref<!tpu.dma_semaphore, #tpu.memory_space<semaphore_mem>>) src(%arg5 : memref<512x64xf32, #tpu.memory_space<vmem>>) dst(%dma_wait3A_15 : memref<512x64xf32, #tpu.memory_space<hbm>>)
      tpu.yield
    }) : () -> ()
    return
  }
}

module attributes {stable_mosaic.version = 14 : i64} {
  func.func @_mlp_body(%arg0: i32, %arg1: memref<2048x64xf32, #tpu.memory_space<vmem>>, %arg2: memref<64x64xf32, #tpu.memory_space<vmem>>, %arg3: memref<1x64xf32, #tpu.memory_space<vmem>>, %arg4: memref<64x8xf32, #tpu.memory_space<vmem>>, %arg5: memref<1x8xf32, #tpu.memory_space<vmem>>, %arg6: memref<2048x8xf32, #tpu.memory_space<vmem>>) attributes {dimension_semantics = [#tpu.dimension_semantics<arbitrary>], iteration_bounds = array<i64: 8>, scalar_prefetch = 0 : i64, scratch_operands = 0 : i64, tpu.core_type = #tpu.core_type<tc>, window_params = [{transform_indices = @transform_0, window_bounds = array<i64: 2048, 64>}, {pipeline_mode = #tpu.pipeline_mode<synchronous>, transform_indices = @transform_1, window_bounds = array<i64: 64, 64>}, {pipeline_mode = #tpu.pipeline_mode<synchronous>, transform_indices = @transform_2, window_bounds = array<i64: 1, 64>}, {pipeline_mode = #tpu.pipeline_mode<synchronous>, transform_indices = @transform_3, window_bounds = array<i64: 64, 8>}, {pipeline_mode = #tpu.pipeline_mode<synchronous>, transform_indices = @transform_4, window_bounds = array<i64: 1, 8>}, {transform_indices = @transform_5, window_bounds = array<i64: 2048, 8>}]} {
    %get3A = arith.constant 0 : index
    %get3A_0 = arith.constant 0 : index
    %get3A_1 = vector.load %arg1[%get3A, %get3A_0] : memref<2048x64xf32, #tpu.memory_space<vmem>>, vector<2048x64xf32>
    %get3A_2 = arith.constant 0 : index
    %get3A_3 = arith.constant 0 : index
    %get3A_4 = vector.load %arg2[%get3A_2, %get3A_3] : memref<64x64xf32, #tpu.memory_space<vmem>>, vector<64x64xf32>
    %dot_general3A = arith.constant dense<0.000000e+00> : vector<2048x64xf32>
    %dot_general3A_5 = tpu.matmul %get3A_1, %get3A_4, %dot_general3A {dimension_numbers = #tpu.dot_dimension_numbers<[1], [0], [0], [1], [0, 0, 1, 1], [], []>, transpose_lhs_hint = false} : vector<2048x64xf32>, vector<64x64xf32>, vector<2048x64xf32> -> vector<2048x64xf32>
    %get3A_6 = arith.constant 0 : index
    %get3A_7 = arith.constant 0 : index
    %get3A_8 = vector.load %arg3[%get3A_6, %get3A_7] : memref<1x64xf32, #tpu.memory_space<vmem>>, vector<1x64xf32>
    %add3A = vector.broadcast %get3A_8 : vector<1x64xf32> to vector<2048x64xf32>
    %add3A_9 = arith.addf %dot_general3A_5, %add3A : vector<2048x64xf32>
    %max3A = arith.constant 0.000000e+00 : f32
    %max3A_10 = vector.broadcast %max3A : f32 to vector<2048x64xf32>
    %max3A_11 = arith.maximumf %add3A_9, %max3A_10 : vector<2048x64xf32>
    %get3A_12 = arith.constant 0 : index
    %get3A_13 = arith.constant 0 : index
    %get3A_14 = vector.load %arg4[%get3A_12, %get3A_13] : memref<64x8xf32, #tpu.memory_space<vmem>>, vector<64x8xf32>
    %dot_general3A_15 = arith.constant dense<0.000000e+00> : vector<2048x8xf32>
    %dot_general3A_16 = tpu.matmul %max3A_11, %get3A_14, %dot_general3A_15 {dimension_numbers = #tpu.dot_dimension_numbers<[1], [0], [0], [1], [0, 0, 1, 1], [], []>, transpose_lhs_hint = false} : vector<2048x64xf32>, vector<64x8xf32>, vector<2048x8xf32> -> vector<2048x8xf32>
    %get3A_17 = arith.constant 0 : index
    %get3A_18 = arith.constant 0 : index
    %get3A_19 = vector.load %arg5[%get3A_17, %get3A_18] : memref<1x8xf32, #tpu.memory_space<vmem>>, vector<1x8xf32>
    %add3A_20 = vector.broadcast %get3A_19 : vector<1x8xf32> to vector<2048x8xf32>
    %add3A_21 = arith.addf %dot_general3A_16, %add3A_20 : vector<2048x8xf32>
    %swap3A = arith.constant 0 : index
    %swap3A_22 = arith.constant 0 : index
    %swap3A_23 = vector.load %arg6[%swap3A, %swap3A_22] : memref<2048x8xf32, #tpu.memory_space<vmem>>, vector<2048x8xf32>
    tpu.vector_store %arg6[%swap3A, %swap3A_22], %add3A_21 {strides = array<i32>} : memref<2048x8xf32, #tpu.memory_space<vmem>>, vector<2048x8xf32>,
    return
  }
  func.func @transform_0(%arg0: i32) -> (i32, i32) {
    %c0_i32 = arith.constant 0 : i32
    %c0_i32_0 = arith.constant 0 : i32
    return %arg0, %c0_i32 : i32, i32
  }
  func.func @transform_1(%arg0: i32) -> (i32, i32) {
    %c0_i32 = arith.constant 0 : i32
    %c0_i32_0 = arith.constant 0 : i32
    %c0_i32_1 = arith.constant 0 : i32
    return %c0_i32, %c0_i32_0 : i32, i32
  }
  func.func @transform_2(%arg0: i32) -> (i32, i32) {
    %c0_i32 = arith.constant 0 : i32
    %c0_i32_0 = arith.constant 0 : i32
    %c0_i32_1 = arith.constant 0 : i32
    return %c0_i32, %c0_i32_0 : i32, i32
  }
  func.func @transform_3(%arg0: i32) -> (i32, i32) {
    %c0_i32 = arith.constant 0 : i32
    %c0_i32_0 = arith.constant 0 : i32
    %c0_i32_1 = arith.constant 0 : i32
    return %c0_i32, %c0_i32_0 : i32, i32
  }
  func.func @transform_4(%arg0: i32) -> (i32, i32) {
    %c0_i32 = arith.constant 0 : i32
    %c0_i32_0 = arith.constant 0 : i32
    %c0_i32_1 = arith.constant 0 : i32
    return %c0_i32, %c0_i32_0 : i32, i32
  }
  func.func @transform_5(%arg0: i32) -> (i32, i32) {
    %c0_i32 = arith.constant 0 : i32
    %c0_i32_0 = arith.constant 0 : i32
    return %arg0, %c0_i32 : i32, i32
  }
}

</mosaic_0001>

<sc_bundles>
// kernel: kernel.4.cloned.1.call-start
scs
__scs_entry_jumppad:
0x0: {  	(pc) =	sbr.rel $0x88, $3  }
0x1: {  	(tag) =	ssettag $0x0;
	lr =	simm.s32 $0x1  }
0x2: {  	[smem:$0x3F9B] =	sst lr;
	_ =	strace $0xD0000000  }
0x3: {  	_ = 	snop  }
0x4: {  	_ = 	snop  }
0x5: {  	_ = 	snop  }
0x6: {  	_ = 	snop  }
0x7: {  	_ = 	snop  }
__scs_overlays_trampoline_lowered:
0x8: {  	[smem:$0x3FAA] =	sst s0  }
0x9: {  	[smem:$0x3FAB] =	sst s1  }
0xa: {  	[smem:$0x3FAC] =	sst s2  }
0xb: {  	[smem:$0x3FAD] =	sst s3  }
0xc: {  	[smem:$0x3FAE] =	sst s4  }
0xd: {  	[smem:$0x3FAF] =	sst s5  }
0xe: {  	[smem:$0x3FB0] =	sst s6  }
0xf: {  	[smem:$0x3FB1] =	sst s7  }
0x10: {  	[smem:$0x3FB2] =	sst s8  }
0x11: {  	[smem:$0x3FB3] =	sst s9;
	s0 =	simm.s32 @!p0 $0x0  }
0x12: {  	s1 =	sld [smem:$0x3F99];
	s0 =	simm.s32 @p0 $0x1  }
0x13: {  	[smem:$0x3FB4] =	sst s0;
	s0 =	simm.s32 @!p1 $0x0  }
0x14: {  	s2 =	sld [smem:$0x3F98];
	s0 =	simm.s32 @p1 $0x1  }
0x15: {  	[smem:$0x3FB5] =	sst s0;
	s0 =	simm.s32 @!p2 $0x0  }
0x16: {  	s3 =	sld [smem:$0x3FDB];
	s0 =	simm.s32 @p2 $0x1  }
0x17: {  	s4 =	simm.s32 $0x1BF5;
	[smem:$0x3FB7] =	sst s0  }
0x18: {  	s0 =	sld [smem:$0x3F9A];
	_ =	swait.ge [sflag:s4], $0x0  }
0x19: {  	s7 =	sld [smem:$0x3F9B]  }
0x1a: {  	s8 =	sadd.s32 $0xFFFFE003, lr  }
0x1b: {  	s9 =	sadd.s32 $0xFFFFFEF7, lr;
	s5 =	simm.s32 $0xFFFFFFFF;
	p2 =	slt.u32 s8, $0xFFFFF086  }
0x1c: {  	p1 =	slt.u32 s9, $0xF7A;
	s5 =	simm.s32 @!p2 $0x0  }
0x1d: {  	s5 =	simm.s32 @p1 $0x1;
	p0 =	seq.s32 s7, s2  }
0x1e: {  	s7 =	smul.u32 @!p0 $0xF7A, s2;
	p2 =	seq.s32 @!p0 s5, $0x0  }
0x1f: {  	s9 =	smul.u32 $0xF7A, s1;
	s8 =	simm.s32 @!p0 $0x1BF5;
	p2 =	por !p2, p0  }
0x20: {  	[sflag:s8] =	ssyncset.s32 @!p0 $0xFFFFF086;
	s6 =	sadd.s32 @!p0 s3, s7;
	s7 =	simm.s32 @!p0 $0x108  }
0x21: {  	s3 =	sadd.s32 s3, s9;
	s6 =	sadd.s32 @!p0 $0x88, s6;
	s7 =	simm.s32 @p2 $0x1082  }
0x22: {  	[simem:s7], [sflag:s8] =	dma.local @!p0 [hbm:s6], $0xF7A  }
0x23: {  	s9 =	sor.u32 $0xD0000000, s2;
	s6 =	simm.s32 $0x108;
	_ =	swait.ge @!p0 [sflag:s8], $0x0  }
0x24: {  	s3 =	sadd.s32 $0x88, s3;
	s6 =	simm.s32 @!p1 $0x1082;
	[sflag:s4] =	ssyncset.s32 $0xFFFFF086  }
0x25: {  	[simem:s6], [sflag:s4] =	dma.local [hbm:s3], $0xF7A  }
0x26: {  	[smem:$0x3F9B] =	sst s1;
	(tag) =	ssettag s2;
	_ =	strace s9  }
0x27: {  	s1 =	sld [smem:$0x3FAB]  }
0x28: {  	s2 =	sld [smem:$0x3FAC]  }
0x29: {  	s4 =	sld [smem:$0x3FAE]  }
0x2a: {  	p0 =	seq.s32 s5, $0x0;
	s5 =	sld [smem:$0x3FAF]  }
0x2b: {  	s6 =	sld [smem:$0x3FB0]  }
0x2c: {  	s7 =	sld [smem:$0x3FB1]  }
0x2d: {  	s3 =	simm.s32 $0x108;
	s8 =	sld [smem:$0x3FB2]  }
0x2e: {  	s3 =	simm.s32 @!p0 $0x1082;
	s9 =	sld [smem:$0x3FB3]  }
0x2f: {  	lr =	sadd.s32 s0, s3;
	s0 =	sld [smem:$0x3FAA]  }
0x30: {  	s3 =	sld [smem:$0x3FAD]  }
0x31: {  	[smem:$0x3FB6] =	sst s10  }
0x32: {  	s10 =	sld [smem:$0x3FB4];
	_ =	sdelay $0x3  }
0x33: {  	p0 =	seq.s32 s10, $0x1;
	s10 =	sld [smem:$0x3FB6];
	_ =	sdelay $0x3  }
0x34: {  	[smem:$0x3FB6] =	sst s10  }
0x35: {  	s10 =	sld [smem:$0x3FB5];
	_ =	sdelay $0x3  }
0x36: {  	p1 =	seq.s32 s10, $0x1;
	s10 =	sld [smem:$0x3FB6];
	_ =	sdelay $0x3  }
0x37: {  	[smem:$0x3FB6] =	sst s10  }
0x38: {  	s10 =	sld [smem:$0x3FB7]  }
0x39: {  	_ = 	snop;
	(pc) =	sbr.ind lr, $3  }
0x3a: {  	_ = 	snop  }
0x3b: {  	_ = 	snop  }
0x3c: {  	p2 =	seq.s32 s10, $0x1;
	s10 =	sld [smem:$0x3FB6]  }
0x3d: {  	_ =	shalt  }
0x3e: {  	_ =	shalt  }
0x3f: {  	_ =	shalt  }
0x40: {  	_ =	shalt  }
0x41: {  	_ =	shalt  }
0x42: {  	_ =	shalt  }
0x43: {  	_ =	shalt  }
0x44: {  	_ =	shalt  }
0x45: {  	_ =	shalt  }
0x46: {  	_ =	shalt  }
0x47: {  	_ =	shalt  }
0x48: {  	_ =	shalt  }
0x49: {  	_ =	shalt  }
0x4a: {  	_ =	shalt  }
0x4b: {  	_ =	shalt  }
0x4c: {  	_ =	shalt  }
0x4d: {  	_ =	shalt  }
0x4e: {  	_ =	shalt  }
0x4f: {  	_ =	shalt  }
0x50: {  	_ =	shalt  }
0x51: {  	_ =	shalt  }
0x52: {  	_ =	shalt  }
0x53: {  	_ =	shalt  }
0x54: {  	_ =	shalt  }
0x55: {  	_ =	shalt  }
0x56: {  	_ =	shalt  }
0x57: {  	_ =	shalt  }
0x58: {  	_ =	shalt  }
0x59: {  	_ =	shalt  }
0x5a: {  	_ =	shalt  }
0x5b: {  	_ =	shalt  }
0x5c: {  	_ =	shalt  }
0x5d: {  	_ =	shalt  }
0x5e: {  	_ =	shalt  }
0x5f: {  	_ =	shalt  }
0x60: {  	_ =	shalt  }
0x61: {  	_ =	shalt  }
0x62: {  	_ =	shalt  }
0x63: {  	_ =	shalt  }
0x64: {  	_ =	shalt  }
0x65: {  	_ =	shalt  }
0x66: {  	_ =	shalt  }
0x67: {  	_ =	shalt  }
0x68: {  	_ =	shalt  }
0x69: {  	_ =	shalt  }
0x6a: {  	_ =	shalt  }
0x6b: {  	_ =	shalt  }
0x6c: {  	_ =	shalt  }
0x6d: {  	_ =	shalt  }
0x6e: {  	_ =	shalt  }
0x6f: {  	_ =	shalt  }
0x70: {  	_ =	shalt  }
0x71: {  	_ =	shalt  }
0x72: {  	_ =	shalt  }
0x73: {  	_ =	shalt  }
0x74: {  	_ =	shalt  }
0x75: {  	_ =	shalt  }
0x76: {  	_ =	shalt  }
0x77: {  	_ =	shalt  }
0x78: {  	_ =	shalt  }
0x79: {  	_ =	shalt  }
0x7a: {  	_ =	shalt  }
0x7b: {  	_ =	shalt  }
0x7c: {  	_ =	shalt  }
0x7d: {  	_ =	shalt  }
0x7e: {  	_ =	shalt  }
0x7f: {  	_ =	shalt  }
0x80: {  	_ =	shalt  }
0x81: {  	_ =	shalt  }
0x82: {  	_ =	shalt  }
0x83: {  	_ =	shalt  }
0x84: {  	_ =	shalt  }
0x85: {  	_ =	shalt  }
0x86: {  	_ =	shalt  }
0x87: {  	_ =	shalt  }
.Lfunc_end0:
.L_simem_size_0:
called_computation_lowered:
.L_overlay_start_0:
0x88: {  	s2 =	sld [smem:$0x3FD9]  }
0x89: {  	s3 =	sld [smem:$0x3FFE];
	_ =	sdelay $0x1  }
0x8a: {  	s1 =	srdreg.scid  }
0x8b: {  	s0 =	sand.u32 $0x1, s1  }
0x8c: {  	s16 =	sshll.u32 s0, $0xA;
	s2 =	sadd.s32 s3, s2  }
0x8d: {  	s2 =	sadd.s32 s2, s16  }
0x8e: {  	[smem:$0x3FC2] =	sst s2  }
0x8f: {  	_ = 	snop  }
0x90: {  	(tm) =	ssettm $0x1  }
0x91: {  	s17 =	sld [smem:$0x3FFB];
	_ =	sdelay $0x3  }
0x92: {  	_ =	strace s17  }
0x93: {  	s2 =	sld [smem:$0x3FFC];
	_ =	sdelay $0x3  }
0x94: {  	_ =	strace s2  }
0x95: {  	s2 =	sld [smem:$0x3FFD];
	_ =	sdelay $0x3  }
0x96: {  	_ =	strace s2  }
0x97: {  	_ =	strace $0x8FFFFFFF  }
0x98: {  	s18 =	sld [smem:$0x3FDB];
	_ =	sdelay $0x1  }
0x99: {  	s19 =	simm.s32 $_scs_section_size  }
0x9a: {  	s4 =	simm.s32 $_size__tile_overlayer_lowered;
	s5 =	simm.s32 $_tile_overlayer_lowered  }
0x9b: {  	s22 =	simm.s32 $0x1BFF;
	s21 =	sshll.u32 s5, $0x1;
	s2 =	sadd.s32 s19, s18  }
0x9c: {  	s6 =	simm.s32 $0x0;
	s20 =	sshll.u32 s4, $0x1;
	s4 =	sadd.s32 s21, s2  }
0x9d: {  	[timem:s6], [sflag:s22] =	dma.local [hbm:s4], s20  }
0x9e: {  	_ =	swait.ge [sflag:s22], s20  }
0x9f: {  	s3 =	ssub.s32 $0x0, s20;
	[sflag:s22] =	ssyncset.done $0x0  }
0xa0: {  	[sflag:s22] =	ssyncadd.s32 s3;
	_ =	sdelay $0x1  }
0xa1: {  	s23 =	simm.s32 $0x1B8B  }
0xa2: {  	_ =	swait.ge [sflag:s23], $0x1  }
0xa3: {  	[sflag:s23] =	ssyncset.done $0x0  }
0xa4: {  	s25 =	simm.s32 $0x1B8E;
	s24 =	sld [smem:$0x3FFE];
	[sflag:s23] =	ssyncadd.s32 $0xFFFFFFFF  }
0xa5: {  	s26 =	simm.s32 $execute0_lowered;
	[smem:$0x3FD2] =	sst s25  }
0xa6: {  	s4 =	sshll.u32 s26, $0x1;
	_ =	strace $0x80000046;
	[dreg:$0x1] =	wrdreg $0xFFFFFFFF  }
0xa7: {  	s28 =	simm.s32 $_size_execute0_lowered;
	s2 =	sadd.s32 s2, s4;
	[dreg:$0x0] =	wrdreg $0x0  }
0xa8: {  	s4 =	sshll.u32 s28, $0x1;
	[dreg:$0x2] =	wrdreg s2  }
0xa9: {  	[dreg:$0x3] =	wrdreg s4  }
0xaa: {  	[dreg:$0x4] =	wrdreg $0xC0  }
0xab: {  	_ =	task [dreg:s6], $0x5FFFF  }
0xac: {  	[dreg:$0x1] =	wrdreg $0xFFFFFFFF  }
0xad: {  	[dreg:$0x0] =	wrdreg $0x60  }
0xae: {  	[dreg:$0x2] =	wrdreg s24  }
0xaf: {  	[dreg:$0x3] =	wrdreg $0x9  }
0xb0: {  	_ =	task.clear_ibuf [dreg:s6], $0x4FFFF;
	_ =	strace $0x90000046  }
0xb1: {  	s29 =	simm.s32 $0x9;
	_ =	strace $0x80000048  }
0xb2: {  	_ =	swait.ge [sflag:s29], $0x1  }
0xb3: {  	[sflag:s29] =	ssyncadd.s32 $0xFFFFFFFF  }
0xb4: {  	_ =	strace $0x90000048  }
0xb5: {  	_ =	sfence  }
0xb6: {  	s30 =	sld [smem:$0x0];
	_ =	sdelay $0x2  }
0xb7: {  	s31 =	sshll.u32 s1, $0xD;
	s1 =	sshrl.u32 s1, $0x2  }
0xb8: {  	s3 =	sand.u32 $0x4000, s31;
	s1 =	sadd.s32 s1, s30  }
0xb9: {  	s0 =	sor.u32 s3, s0;
	s1 =	sshll.u32 s1, $0x11  }
0xba: {  	s0 =	sor.u32 s1, s0  }
0xbb: {  	s0 =	sadd.s32 $0x8F2B, s0  }
0xbc: {  	[sflag:s0] =	ssyncadd.remote.s32 $0x1  }
0xbd: {  	_ =	sfence.sel $0xFFFF  }
0xbe: {  	[dreg:$0x0] =	wrdreg $0xFFFFFFFF;
	(pc) =	sbr.abs _section_cstart, $3  }
0xbf: {  	[dreg:$0x1] =	wrdreg $0xFFFFFFFF  }
0xc0: {  	_ =	task.clear_ibuf [dreg:s6], $0x2FFFF;
	_ =	strace $0x9FFFFFFF  }
0xc1: {  	(tm) =	ssettm $0x7FFFFFFF  }
tec
execute0_lowered:
.L_overlay_start_1:
0x0: {  	(tag) =	ssettag $0x1  }
0x1: {  	s3 =	rddreg [dreg:$0x0]  }
0x2: {  	s1 =	srdreg.scid;
	s0 =	rddreg [dreg:$0x1];
	s2 =	simm.s32 $0x0  }
0x3: {  	s4 =	sand.u32 $0x1, s1;
	s1 =	stileid.u32;
	[smem:$0x7FF] =	sst s2  }
0x4: {  	s5 =	sshll.u32 s4, $0xC;
	s4 =	ssub.s32 $0x2, s4;
	s31 =	sshll.u32 s1, $0xD  }
0x5: {  	_ =	strace $0x80000047;
	s3 =	sadd.s32 s5, s3;
	s6 =	sshrl.u32 s4, $0x1  }
0x6: {  	s5 =	simm.s32 $0x1;
	s3 =	sadd.s32 s31, s3;
	s4 =	ssub.s32 s4, s6  }
0x7: {  	v0 =	vimm.f32 $0.0e+00;
	s6 =	simm.s32 $0x0;
	s3 =	sadd.s32 $0x14A00, s3;
	s4 =	smax.u32 s4, $0x1  }
.LBB2_1:
0x8: {  	s8 =	simm.s32 $0x100;
	s7 =	simm.s32 $0x0  }
.LBB2_2:
0x9: {  	p0 =	sne.s32 s8, $0x1FF00;
	[tilespmem:s7+$0x30] =	vst v0;
	s9 =	smov.u32 s8;
	s8 =	sadd.s32 $0x100, s8  }
.Ltmp0:
0xa: {  	[tilespmem:s7+$0x20] =	vst v0;
	(pc) =	sbr.rel @p0 .LBB2_2-.Ltmp0, $3  }
0xb: {  	[tilespmem:s7+$0x0] =	vst v0  }
0xc: {  	[tilespmem:s7+$0x10] =	vst v0;
	_ =	sdelay $0x1  }
0xd: {  	s7 =	sshra.s32 s9, $0x2  }
0xe: {  	[tilespmem:s7+$0x30] =	vst v0  }
0xf: {  	[tilespmem:s7+$0x20] =	vst v0;
	s6 =	sadd.s32 $0x1, s6  }
0x10: {  	[tilespmem:s7+$0x0] =	vst v0;
	p0 =	sne.s32 s6, s4  }
.Ltmp1:
0x11: {  	[tilespmem:s7+$0x10] =	vst v0;
	(pc) =	sbr.rel @p0 .LBB2_1-.Ltmp1, $4  }
0x12: {  	[hbm4b:s3+s2] =	stream.linear.scatter [tilespmem:s2], [sflag:$0x1], $0x8000, $0x38;
	[tilespmem:$0x8000] =	vst v63  }
0x13: {  	_ =	swait.ge [sflag:s5], $0x8000  }
0x14: {  	[sflag:s5] =	ssyncset.done $0x0  }
0x15: {  	[sflag:s5] =	ssyncadd.s32 $0xFFFF8000  }
0x16: {  	_ =	sfence.sel $0x180000  }
0x17: {  	[bflag:$0x0] =	sbarrier.arrive $0xFFFF  }
0x18: {  	p0 =	sne.s32 s1, $0x0;
	_ =	strace $0x90000047  }
0x19: {  	s0 =	sadd.s32 @!p0 $0x100000, s0;
	[bflag:$0x2] =	sbarrier.arrive $0xFFFF  }
0x1a: {  	[sflag:s0] =	ssyncadd.tile.s32 @!p0 $0x1;
	_ =	shalt  }
.Lfunc_end2:
_tile_overlayer_lowered:
.L_overlay_start_2:
0x1b: {  	(tag) =	ssettag $0x2  }
0x1c: {  	s0 =	rddreg [dreg:$0x0];
	s2 =	stileid.u32  }
0x1d: {  	s1 =	rddreg [dreg:$0x1];
	p0 =	sne.s32 s2, $0x0  }
0x1e: {  	s3 =	rddreg [dreg:$0x2];
	[bflag:$0x3] =	sbarrier.arrive $0xFFFF;
	s2 =	simm.s32 @!p0 $0x1C01  }
0x1f: {  	[timem:s3], [sflag:s2] =	dma.local @!p0 [hbm:s0], s1  }
0x20: {  	s0 =	simm.s32 @!p0 $0x1  }
0x21: {  	_ =	swait.ge @!p0 [sflag:s0], s1  }
0x22: {  	s1 =	ssub.s32 @!p0 $0x0, s1;
	[sflag:s0] =	ssyncset.done @!p0 $0x0  }
0x23: {  	[sflag:s0] =	ssyncadd.s32 @!p0 s1  }
0x24: {  	[bflag:$0x3] =	sbarrier.arrive $0xFFFF  }
0x25: {  	_ =	shalt  }

</sc_bundles>
